<compile_context>
chip_gen: v7x
topology: tpu7x:2x2x1
jax: 0.10.2.dev20260603
libtpu: 0.0.44.dev20260713+nightly
codegen_flags: <defaults>
</compile_context>

<pallas_src>
import functools

import jax
import jax.numpy as jnp
from jax import lax
from jax.experimental import pallas as pl
from jax.experimental.pallas import tpu as pltpu
from jax.experimental.pallas import tpu_sc as plsc

B = 65536
OBS = 128
H = 256
D = 32
K = 512

BM = 8192


def _enc_block(obs_ref, ew1_ref, eb1_ref, ew2_ref, eb2_ref, ew3_ref, eb3_ref,
               cbm2_ref, c2_ref, iota_ref, idx_ref):
    x = obs_ref[...]
    h = jax.nn.relu(jnp.dot(x, ew1_ref[...], preferred_element_type=jnp.float32)
                    + eb1_ref[...])
    h = jax.nn.relu(jnp.dot(h, ew2_ref[...], preferred_element_type=jnp.float32)
                    + eb2_ref[...])
    z = jnp.dot(h, ew3_ref[...], preferred_element_type=jnp.float32) + eb3_ref[...]
    cross2 = jax.lax.dot_general(z, cbm2_ref[...], (((1,), (1,)), ((), ())),
                                 preferred_element_type=jnp.float32)
    dists = c2_ref[...] + cross2
    m = jnp.min(dists, axis=1, keepdims=True)
    iota = iota_ref[...]
    idx = jnp.min(jnp.where(dists == m, iota, float(K)), axis=1, keepdims=True)
    idx_ref[...] = idx.astype(jnp.int32)


def _dec_block(q_ref, dw1_ref, db1_ref, dw2_ref, db2_ref, dw3_ref, db3_ref,
               out_ref):
    h = jax.nn.relu(jnp.dot(q_ref[...], dw1_ref[...],
                            preferred_element_type=jnp.float32) + db1_ref[...])
    h = jax.nn.relu(jnp.dot(h, dw2_ref[...],
                            preferred_element_type=jnp.float32) + db2_ref[...])
    out_ref[...] = (jnp.dot(h, dw3_ref[...], preferred_element_type=jnp.float32)
                    + db3_ref[...])


def _sc_gather(codebook, idx):
    info = plsc.get_sparse_core_info()
    nc, ns = info.num_cores, info.num_subcores
    nw = nc * ns
    b_per_w = B // nw
    CH = 512
    mesh = plsc.VectorSubcoreMesh(core_axis_name="c", subcore_axis_name="s")

    @functools.partial(
        pl.kernel, mesh=mesh,
        out_type=jax.ShapeDtypeStruct((B, 128), jnp.float32),
        scratch_types=[
            pltpu.VMEM((b_per_w,), jnp.int32),
            pltpu.VMEM((CH, 128), jnp.float32),
            pltpu.SemaphoreType.DMA,
        ],
    )
    def gather_k(table_hbm, idx_hbm, out_hbm, idx_v, rows_v, sem):
        wid = lax.axis_index("s") * nc + lax.axis_index("c")
        base = wid * b_per_w
        pltpu.sync_copy(idx_hbm.at[pl.ds(base, b_per_w)], idx_v)

        @pl.loop(0, b_per_w // CH)
        def body(g):
            off = g * CH
            pltpu.async_copy(table_hbm.at[idx_v.at[pl.ds(off, CH)]],
                             rows_v, sem).wait()
            pltpu.sync_copy(rows_v, out_hbm.at[pl.ds(base + off, CH)])

    return gather_k(codebook, idx)


@jax.jit
def kernel(observations, enc_w1, enc_b1, enc_w2, enc_b2, enc_w3, enc_b3,
           codebook, dec_w1, dec_b1, dec_w2, dec_b2, dec_w3, dec_b3):
    def rep(shape):
        return pl.BlockSpec(shape, lambda i: (0,) * len(shape))

    grid = (B // BM,)
    idx = pl.pallas_call(
        _enc_block,
        grid=grid,
        in_specs=[
            pl.BlockSpec((BM, OBS), lambda i: (i, 0)),
            rep((OBS, H)), rep((1, H)),
            rep((H, H)), rep((1, H)),
            rep((H, D)), rep((1, D)),
            rep((K, D)), rep((1, K)), rep((1, K)),
        ],
        out_specs=pl.BlockSpec((BM, 1), lambda i: (i, 0)),
        out_shape=jax.ShapeDtypeStruct((B, 1), jnp.int32),
    )(observations,
      enc_w1, enc_b1[None, :], enc_w2, enc_b2[None, :], enc_w3, enc_b3[None, :],
      -2.0 * codebook, jnp.sum(codebook * codebook, axis=1)[None, :],
      jnp.arange(K, dtype=jnp.float32)[None, :])

    cb_pad = jnp.zeros((K, 128), jnp.float32).at[:, :D].set(codebook)
    dw1_pad = jnp.zeros((128, H), jnp.float32).at[:D, :].set(dec_w1)
    q = _sc_gather(cb_pad, idx.reshape(B))

    return pl.pallas_call(
        _dec_block,
        grid=grid,
        in_specs=[
            pl.BlockSpec((BM, 128), lambda i: (i, 0)),
            rep((128, H)), rep((1, H)),
            rep((H, H)), rep((1, H)),
            rep((H, OBS)), rep((1, OBS)),
        ],
        out_specs=pl.BlockSpec((BM, OBS), lambda i: (i, 0)),
        out_shape=jax.ShapeDtypeStruct((B, OBS), jnp.float32),
    )(q, dw1_pad, dec_b1[None, :], dec_w2, dec_b2[None, :],
      dec_w3, dec_b3[None, :])

# --- scband reference (transcript-rebuilt; emitter-appended) ---
"""Pipeline reference for scband-vq-vae-78589311582888 (READ-ONLY COPY).

The authoritative reference and input builder live on the scoring server;
editing this copy changes nothing except your own understanding.
"""

import jax, jax.numpy as jnp
import numpy as np

B = 65536
OBS = 128
H = 256
D = 32
K = 512


def _glorot(key, shape):
    fan_in, fan_out = shape[0], shape[1]
    lim = np.sqrt(6.0 / (fan_in + fan_out))
    return jax.random.uniform(key, shape, dtype=jnp.float32, minval=-lim, maxval=lim)


def setup_inputs(seed: int = 0) -> dict:
    key = jax.random.key(seed)
    ks = jax.random.split(key, 14)
    return {
        "observations": jax.random.normal(ks[0], (B, OBS), dtype=jnp.float32),
        "enc_w1": _glorot(ks[1], (OBS, H)),
        "enc_b1": jnp.zeros((H,), dtype=jnp.float32),
        "enc_w2": _glorot(ks[2], (H, H)),
        "enc_b2": jnp.zeros((H,), dtype=jnp.float32),
        "enc_w3": _glorot(ks[3], (H, D)),
        "enc_b3": jnp.zeros((D,), dtype=jnp.float32),
        "codebook": jax.random.normal(ks[4], (K, D), dtype=jnp.float32),
        "dec_w1": _glorot(ks[5], (D, H)),
        "dec_b1": jnp.zeros((H,), dtype=jnp.float32),
        "dec_w2": _glorot(ks[6], (H, H)),
        "dec_b2": jnp.zeros((H,), dtype=jnp.float32),
        "dec_w3": _glorot(ks[7], (H, OBS)),
        "dec_b3": jnp.zeros((OBS,), dtype=jnp.float32),
    }


def reference(observations, enc_w1, enc_b1, enc_w2, enc_b2, enc_w3, enc_b3,
              codebook, dec_w1, dec_b1, dec_w2, dec_b2, dec_w3, dec_b3):
    # obs_encoder (FlattenMlp): Linear -> ReLU -> Linear -> ReLU -> Linear
    h = jax.nn.relu(observations @ enc_w1 + enc_b1)
    h = jax.nn.relu(h @ enc_w2 + enc_b2)
    emb_hat = h @ enc_w3 + enc_b3
    # Codebook.quantize: nearest-neighbor lookup into codebook
    # squared L2 distances: ||z||^2 - 2 z.e^T + ||e||^2
    dists = (jnp.sum(emb_hat ** 2, axis=1, keepdims=True)
             - 2.0 * (emb_hat @ codebook.T)
             + jnp.sum(codebook ** 2, axis=1)[None, :])
    indices = jnp.argmin(dists, axis=1)
    quantized = jnp.take(codebook, indices, axis=0)
    # straight-through estimator
    quantized_st = emb_hat + jax.lax.stop_gradient(quantized - emb_hat)
    # obs_decoder (FlattenMlp)
    h = jax.nn.relu(quantized_st @ dec_w1 + dec_b1)
    h = jax.nn.relu(h @ dec_w2 + dec_b2)
    reconstructions = h @ dec_w3 + dec_b3
    return reconstructions

if __name__ == "__main__":
    import jax
    _d = setup_inputs()
    print(jax.jit(kernel)(*tuple(_d.values())))

</pallas_src>

<mosaic_0001>
#map = affine_map<(d0, d1) -> (0, 0)>
#map1 = affine_map<(d0, d1) -> (0)>
module attributes {stable_mosaic.version = 14 : i64} {
  func.func @gather_k(%arg0: i32, %arg1: i32, %arg2: memref<512x128xf32, #tpu.memory_space<hbm>>, %arg3: memref<65536xi32, #tpu.memory_space<hbm>>, %arg4: memref<65536x128xf32, #tpu.memory_space<hbm>>, %arg5: memref<2048xi32, #tpu.memory_space<vmem>>, %arg6: memref<512x128xf32, #tpu.memory_space<vmem>>, %arg7: memref<!tpu.dma_semaphore, #tpu.memory_space<semaphore_mem>>) attributes {dimension_semantics = [#tpu.dimension_semantics<core_parallel>, #tpu.dimension_semantics<subcore_parallel>], iteration_bounds = array<i64: 2, 16>, scalar_prefetch = 0 : i64, scratch_operands = 3 : i64, tpu.core_type = #tpu.core_type<sc_vector_subcore>, window_params = [{transform_indices = #map}, {transform_indices = #map1}, {transform_indices = #map}]} {
    %mul3A = arith.constant 2 : i32
    %mul3A_0 = arith.muli %arg1, %mul3A : i32
    %add3A = arith.addi %mul3A_0, %arg0 : i32
    %mul3A_1 = arith.constant 2048 : i32
    %mul3A_2 = arith.muli %add3A, %mul3A_1 : i32
    "tpu.region"() ({
      %run_scoped3A = tpu.sem_alloc : memref<!tpu.dma_semaphore, #tpu.memory_space<semaphore_mem>>
      %dma_start3A = tpu.memref_slice %arg3[%mul3A_2] : memref<65536xi32, #tpu.memory_space<hbm>> -> memref<2048xi32, #tpu.memory_space<hbm>>
      %dma_start3A_7 = tpu.memref_slice %arg3[%mul3A_2] : memref<65536xi32, #tpu.memory_space<hbm>> -> memref<2048xi32, #tpu.memory_space<hbm>>
      tpu.enqueue_dma source(%dma_start3A_7 : memref<2048xi32, #tpu.memory_space<hbm>>) target(%arg5 : memref<2048xi32, #tpu.memory_space<vmem>>) target_semaphore(%run_scoped3A : memref<!tpu.dma_semaphore, #tpu.memory_space<semaphore_mem>>)
      %dma_wait3A = tpu.memref_slice %arg3[%mul3A_2] : memref<65536xi32, #tpu.memory_space<hbm>> -> memref<2048xi32, #tpu.memory_space<hbm>>
      %dma_wait3A_8 = tpu.memref_slice %arg3[%mul3A_2] : memref<65536xi32, #tpu.memory_space<hbm>> -> memref<2048xi32, #tpu.memory_space<hbm>>
      tpu.wait_dma2 semaphore(%run_scoped3A : memref<!tpu.dma_semaphore, #tpu.memory_space<semaphore_mem>>) src(%dma_wait3A_8 : memref<2048xi32, #tpu.memory_space<hbm>>) dst(%arg5 : memref<2048xi32, #tpu.memory_space<vmem>>)
      tpu.yield
    }) : () -> ()
    %scan3A = arith.constant 0 : i32
    %scan3A_3 = arith.constant 4 : i32
    %scan3A_4 = arith.addi %scan3A, %scan3A_3 : i32
    %scan3A_5 = arith.constant 1 : i32
    scf.for %scan3A_7 = %scan3A to %scan3A_4 step %scan3A_5  : i32 {
      %mul3A_8 = arith.constant 1 : i32
      %mul3A_9 = arith.muli %scan3A_7, %mul3A_8 : i32
      %add3A_10 = arith.constant 0 : i32
      %add3A_11 = arith.addi %add3A_10, %mul3A_9 : i32
      %mul3A_12 = arith.constant 512 : i32
      %mul3A_13 = arith.muli %add3A_11, %mul3A_12 : i32
      %dma_start3A = tpu.memref_slice %arg5[%mul3A_13] : memref<2048xi32, #tpu.memory_space<vmem>> -> memref<512xi32, #tpu.memory_space<vmem>>
      %dma_start3A_14 = arith.constant 0 : i32
      %dma_start3A_15 = arith.constant 0 : i32
      %dma_start3A_16 = tpu.memref_slice %arg2[%dma_start3A_14, %dma_start3A_15] : memref<512x128xf32, #tpu.memory_space<hbm>> -> memref<512x128xf32, #tpu.memory_space<hbm>>
      tpu.enqueue_indirect_dma source(%dma_start3A_16 : memref<512x128xf32, #tpu.memory_space<hbm>>) target(%arg6 : memref<512x128xf32, #tpu.memory_space<vmem>>) offsets(%dma_start3A : memref<512xi32, #tpu.memory_space<vmem>>) semaphore(%arg7 : memref<!tpu.dma_semaphore, #tpu.memory_space<semaphore_mem>>)
      %dma_wait3A = tpu.memref_slice %arg5[%mul3A_13] : memref<2048xi32, #tpu.memory_space<vmem>> -> memref<512xi32, #tpu.memory_space<vmem>>
      %dma_wait3A_17 = arith.constant 0 : i32
      %dma_wait3A_18 = arith.constant 0 : i32
      %dma_wait3A_19 = tpu.memref_slice %arg2[%dma_wait3A_17, %dma_wait3A_18] : memref<512x128xf32, #tpu.memory_space<hbm>> -> memref<512x128xf32, #tpu.memory_space<hbm>>
      tpu.wait_indirect_dma semaphore(%arg7 : memref<!tpu.dma_semaphore, #tpu.memory_space<semaphore_mem>>) src(%dma_wait3A_19 : memref<512x128xf32, #tpu.memory_space<hbm>>) dst(%arg6 : memref<512x128xf32, #tpu.memory_space<vmem>>)
      %add3A_20 = arith.addi %mul3A_2, %mul3A_13 : i32
      "tpu.region"() ({
        %run_scoped3A = tpu.sem_alloc : memref<!tpu.dma_semaphore, #tpu.memory_space<semaphore_mem>>
        %dma_start3A_21 = arith.constant 0 : i32
        %dma_start3A_22 = tpu.memref_slice %arg4[%add3A_20, %dma_start3A_21] : memref<65536x128xf32, #tpu.memory_space<hbm>> -> memref<512x128xf32, #tpu.memory_space<hbm>>
        %dma_start3A_23 = arith.constant 0 : i32
        %dma_start3A_24 = tpu.memref_slice %arg4[%add3A_20, %dma_start3A_23] : memref<65536x128xf32, #tpu.memory_space<hbm>> -> memref<512x128xf32, #tpu.memory_space<hbm>>
        tpu.enqueue_dma source(%arg6 : memref<512x128xf32, #tpu.memory_space<vmem>>) target(%dma_start3A_24 : memref<512x128xf32, #tpu.memory_space<hbm>>) target_semaphore(%run_scoped3A : memref<!tpu.dma_semaphore, #tpu.memory_space<semaphore_mem>>)
        %dma_wait3A_25 = arith.constant 0 : i32
        %dma_wait3A_26 = tpu.memref_slice %arg4[%add3A_20, %dma_wait3A_25] : memref<65536x128xf32, #tpu.memory_space<hbm>> -> memref<512x128xf32, #tpu.memory_space<hbm>>
        %dma_wait3A_27 = arith.constant 0 : i32
        %dma_wait3A_28 = tpu.memref_slice %arg4[%add3A_20, %dma_wait3A_27] : memref<65536x128xf32, #tpu.memory_space<hbm>> -> memref<512x128xf32, #tpu.memory_space<hbm>>
        tpu.wait_dma2 semaphore(%run_scoped3A : memref<!tpu.dma_semaphore, #tpu.memory_space<semaphore_mem>>) src(%arg6 : memref<512x128xf32, #tpu.memory_space<vmem>>) dst(%dma_wait3A_28 : memref<512x128xf32, #tpu.memory_space<hbm>>)
        tpu.yield
      }) : () -> ()
    }
    %scan3A_6 = arith.constant 4 : i32
    return
  }
}

module attributes {stable_mosaic.version = 14 : i64} {
  func.func @_enc_block(%arg0: i32, %arg1: memref<8192x128xf32, #tpu.memory_space<vmem>>, %arg2: memref<128x256xf32, #tpu.memory_space<vmem>>, %arg3: memref<1x256xf32, #tpu.memory_space<vmem>>, %arg4: memref<256x256xf32, #tpu.memory_space<vmem>>, %arg5: memref<1x256xf32, #tpu.memory_space<vmem>>, %arg6: memref<256x32xf32, #tpu.memory_space<vmem>>, %arg7: memref<1x32xf32, #tpu.memory_space<vmem>>, %arg8: memref<512x32xf32, #tpu.memory_space<vmem>>, %arg9: memref<1x512xf32, #tpu.memory_space<vmem>>, %arg10: memref<1x512xf32, #tpu.memory_space<vmem>>, %arg11: memref<8192x1xi32, #tpu.memory_space<vmem>>) attributes {dimension_semantics = [#tpu.dimension_semantics<arbitrary>], iteration_bounds = array<i64: 8>, scalar_prefetch = 0 : i64, scratch_operands = 0 : i64, tpu.core_type = #tpu.core_type<tc>, window_params = [{transform_indices = @transform_0, window_bounds = array<i64: 8192, 128>}, {pipeline_mode = #tpu.pipeline_mode<synchronous>, transform_indices = @transform_1, window_bounds = array<i64: 128, 256>}, {pipeline_mode = #tpu.pipeline_mode<synchronous>, transform_indices = @transform_2, window_bounds = array<i64: 1, 256>}, {pipeline_mode = #tpu.pipeline_mode<synchronous>, transform_indices = @transform_3, window_bounds = array<i64: 256, 256>}, {pipeline_mode = #tpu.pipeline_mode<synchronous>, transform_indices = @transform_4, window_bounds = array<i64: 1, 256>}, {pipeline_mode = #tpu.pipeline_mode<synchronous>, transform_indices = @transform_5, window_bounds = array<i64: 256, 32>}, {pipeline_mode = #tpu.pipeline_mode<synchronous>, transform_indices = @transform_6, window_bounds = array<i64: 1, 32>}, {pipeline_mode = #tpu.pipeline_mode<synchronous>, transform_indices = @transform_7, window_bounds = array<i64: 512, 32>}, {pipeline_mode = #tpu.pipeline_mode<synchronous>, transform_indices = @transform_8, window_bounds = array<i64: 1, 512>}, {pipeline_mode = #tpu.pipeline_mode<synchronous>, transform_indices = @transform_9, window_bounds = array<i64: 1, 512>}, {transform_indices = @transform_10, window_bounds = array<i64: 8192, 1>}]} {
    %get3A = arith.constant 0 : index
    %get3A_0 = arith.constant 0 : index
    %get3A_1 = vector.load %arg1[%get3A, %get3A_0] : memref<8192x128xf32, #tpu.memory_space<vmem>>, vector<8192x128xf32>
    %get3A_2 = arith.constant 0 : index
    %get3A_3 = arith.constant 0 : index
    %get3A_4 = vector.load %arg2[%get3A_2, %get3A_3] : memref<128x256xf32, #tpu.memory_space<vmem>>, vector<128x256xf32>
    %dot_general3A = arith.constant dense<0.000000e+00> : vector<8192x256xf32>
    %dot_general3A_5 = tpu.matmul %get3A_1, %get3A_4, %dot_general3A {dimension_numbers = #tpu.dot_dimension_numbers<[1], [0], [0], [1], [0, 0, 1, 1], [], []>, transpose_lhs_hint = false} : vector<8192x128xf32>, vector<128x256xf32>, vector<8192x256xf32> -> vector<8192x256xf32>
    %get3A_6 = arith.constant 0 : index
    %get3A_7 = arith.constant 0 : index
    %get3A_8 = vector.load %arg3[%get3A_6, %get3A_7] : memref<1x256xf32, #tpu.memory_space<vmem>>, vector<1x256xf32>
    %add3A = vector.broadcast %get3A_8 : vector<1x256xf32> to vector<8192x256xf32>
    %add3A_9 = arith.addf %dot_general3A_5, %add3A : vector<8192x256xf32>
    %max3A = arith.constant 0.000000e+00 : f32
    %max3A_10 = vector.broadcast %max3A : f32 to vector<8192x256xf32>
    %max3A_11 = arith.maximumf %add3A_9, %max3A_10 : vector<8192x256xf32>
    %get3A_12 = arith.constant 0 : index
    %get3A_13 = arith.constant 0 : index
    %get3A_14 = vector.load %arg4[%get3A_12, %get3A_13] : memref<256x256xf32, #tpu.memory_space<vmem>>, vector<256x256xf32>
    %dot_general3A_15 = arith.constant dense<0.000000e+00> : vector<8192x256xf32>
    %dot_general3A_16 = tpu.matmul %max3A_11, %get3A_14, %dot_general3A_15 {dimension_numbers = #tpu.dot_dimension_numbers<[1], [0], [0], [1], [0, 0, 1, 1], [], []>, transpose_lhs_hint = false} : vector<8192x256xf32>, vector<256x256xf32>, vector<8192x256xf32> -> vector<8192x256xf32>
    %get3A_17 = arith.constant 0 : index
    %get3A_18 = arith.constant 0 : index
    %get3A_19 = vector.load %arg5[%get3A_17, %get3A_18] : memref<1x256xf32, #tpu.memory_space<vmem>>, vector<1x256xf32>
    %add3A_20 = vector.broadcast %get3A_19 : vector<1x256xf32> to vector<8192x256xf32>
    %add3A_21 = arith.addf %dot_general3A_16, %add3A_20 : vector<8192x256xf32>
    %max3A_22 = arith.constant 0.000000e+00 : f32
    %max3A_23 = vector.broadcast %max3A_22 : f32 to vector<8192x256xf32>
    %max3A_24 = arith.maximumf %add3A_21, %max3A_23 : vector<8192x256xf32>
    %get3A_25 = arith.constant 0 : index
    %get3A_26 = arith.constant 0 : index
    %get3A_27 = vector.load %arg6[%get3A_25, %get3A_26] : memref<256x32xf32, #tpu.memory_space<vmem>>, vector<256x32xf32>
    %dot_general3A_28 = arith.constant dense<0.000000e+00> : vector<8192x32xf32>
    %dot_general3A_29 = tpu.matmul %max3A_24, %get3A_27, %dot_general3A_28 {dimension_numbers = #tpu.dot_dimension_numbers<[1], [0], [0], [1], [0, 0, 1, 1], [], []>, transpose_lhs_hint = false} : vector<8192x256xf32>, vector<256x32xf32>, vector<8192x32xf32> -> vector<8192x32xf32>
    %get3A_30 = arith.constant 0 : index
    %get3A_31 = arith.constant 0 : index
    %get3A_32 = vector.load %arg7[%get3A_30, %get3A_31] : memref<1x32xf32, #tpu.memory_space<vmem>>, vector<1x32xf32>
    %add3A_33 = vector.broadcast %get3A_32 : vector<1x32xf32> to vector<8192x32xf32>
    %add3A_34 = arith.addf %dot_general3A_29, %add3A_33 : vector<8192x32xf32>
    %get3A_35 = arith.constant 0 : index
    %get3A_36 = arith.constant 0 : index
    %get3A_37 = vector.load %arg8[%get3A_35, %get3A_36] : memref<512x32xf32, #tpu.memory_space<vmem>>, vector<512x32xf32>
    %dot_general3A_38 = arith.constant dense<0.000000e+00> : vector<8192x512xf32>
    %dot_general3A_39 = tpu.matmul %add3A_34, %get3A_37, %dot_general3A_38 {dimension_numbers = #tpu.dot_dimension_numbers<[1], [1], [0], [0], [0, 0, 1, 0], [], []>, transpose_lhs_hint = false} : vector<8192x32xf32>, vector<512x32xf32>, vector<8192x512xf32> -> vector<8192x512xf32>
    %get3A_40 = arith.constant 0 : index
    %get3A_41 = arith.constant 0 : index
    %get3A_42 = vector.load %arg9[%get3A_40, %get3A_41] : memref<1x512xf32, #tpu.memory_space<vmem>>, vector<1x512xf32>
    %add3A_43 = vector.broadcast %get3A_42 : vector<1x512xf32> to vector<8192x512xf32>
    %add3A_44 = arith.addf %add3A_43, %dot_general3A_39 : vector<8192x512xf32>
    %reduce_min3A = arith.constant dense<0x7F800000> : vector<8192xf32>
    %reduce_min3A_45 = vector.multi_reduction <minimumf>, %add3A_44, %reduce_min3A [1] : vector<8192x512xf32> to vector<8192xf32>
    %broadcast_in_dim3A = vector.shape_cast %reduce_min3A_45 : vector<8192xf32> to vector<8192x1xf32>
    %get3A_46 = arith.constant 0 : index
    %get3A_47 = arith.constant 0 : index
    %get3A_48 = vector.load %arg10[%get3A_46, %get3A_47] : memref<1x512xf32, #tpu.memory_space<vmem>>, vector<1x512xf32>
    %eq3A = vector.broadcast %broadcast_in_dim3A : vector<8192x1xf32> to vector<8192x512xf32>
    %eq3A_49 = arith.cmpf oeq, %add3A_44, %eq3A : vector<8192x512xf32>
    %jit3A = arith.constant 5.120000e+02 : f32
    %broadcast_in_dim3A_50 = vector.shape_cast %get3A_48 : vector<1x512xf32> to vector<1x512xf32>
    %broadcast_in_dim3A_51 = vector.broadcast %broadcast_in_dim3A_50 : vector<1x512xf32> to vector<8192x512xf32>
    %broadcast_in_dim3A_52 = vector.broadcast %jit3A : f32 to vector<8192x512xf32>
    %select_n3A = arith.select %eq3A_49, %broadcast_in_dim3A_51, %broadcast_in_dim3A_52 : vector<8192x512xi1>, vector<8192x512xf32>
    %reduce_min3A_53 = arith.constant dense<0x7F800000> : vector<8192xf32>
    %reduce_min3A_54 = vector.multi_reduction <minimumf>, %select_n3A, %reduce_min3A_53 [1] : vector<8192x512xf32> to vector<8192xf32>
    %broadcast_in_dim3A_55 = vector.shape_cast %reduce_min3A_54 : vector<8192xf32> to vector<8192x1xf32>
    %convert_element_type3A = arith.fptosi %broadcast_in_dim3A_55 : vector<8192x1xf32> to vector<8192x1xi32>
    %swap3A = arith.constant 0 : index
    %swap3A_56 = arith.constant 0 : index
    %swap3A_57 = vector.load %arg11[%swap3A, %swap3A_56] : memref<8192x1xi32, #tpu.memory_space<vmem>>, vector<8192x1xi32>
    tpu.vector_store %arg11[%swap3A, %swap3A_56], %convert_element_type3A {strides = array<i32>} : memref<8192x1xi32, #tpu.memory_space<vmem>>, vector<8192x1xi32>,
    return
  }
  func.func @transform_0(%arg0: i32) -> (i32, i32) {
    %c0_i32 = arith.constant 0 : i32
    %c0_i32_0 = arith.constant 0 : i32
    return %arg0, %c0_i32 : i32, i32
  }
  func.func @transform_1(%arg0: i32) -> (i32, i32) {
    %c0_i32 = arith.constant 0 : i32
    %c0_i32_0 = arith.constant 0 : i32
    %c0_i32_1 = arith.constant 0 : i32
    return %c0_i32, %c0_i32_0 : i32, i32
  }
  func.func @transform_2(%arg0: i32) -> (i32, i32) {
    %c0_i32 = arith.constant 0 : i32
    %c0_i32_0 = arith.constant 0 : i32
    %c0_i32_1 = arith.constant 0 : i32
    return %c0_i32, %c0_i32_0 : i32, i32
  }
  func.func @transform_3(%arg0: i32) -> (i32, i32) {
    %c0_i32 = arith.constant 0 : i32
    %c0_i32_0 = arith.constant 0 : i32
    %c0_i32_1 = arith.constant 0 : i32
    return %c0_i32, %c0_i32_0 : i32, i32
  }
  func.func @transform_4(%arg0: i32) -> (i32, i32) {
    %c0_i32 = arith.constant 0 : i32
    %c0_i32_0 = arith.constant 0 : i32
    %c0_i32_1 = arith.constant 0 : i32
    return %c0_i32, %c0_i32_0 : i32, i32
  }
  func.func @transform_5(%arg0: i32) -> (i32, i32) {
    %c0_i32 = arith.constant 0 : i32
    %c0_i32_0 = arith.constant 0 : i32
    %c0_i32_1 = arith.constant 0 : i32
    return %c0_i32, %c0_i32_0 : i32, i32
  }
  func.func @transform_6(%arg0: i32) -> (i32, i32) {
    %c0_i32 = arith.constant 0 : i32
    %c0_i32_0 = arith.constant 0 : i32
    %c0_i32_1 = arith.constant 0 : i32
    return %c0_i32, %c0_i32_0 : i32, i32
  }
  func.func @transform_7(%arg0: i32) -> (i32, i32) {
    %c0_i32 = arith.constant 0 : i32
    %c0_i32_0 = arith.constant 0 : i32
    %c0_i32_1 = arith.constant 0 : i32
    return %c0_i32, %c0_i32_0 : i32, i32
  }
  func.func @transform_8(%arg0: i32) -> (i32, i32) {
    %c0_i32 = arith.constant 0 : i32
    %c0_i32_0 = arith.constant 0 : i32
    %c0_i32_1 = arith.constant 0 : i32
    return %c0_i32, %c0_i32_0 : i32, i32
  }
  func.func @transform_9(%arg0: i32) -> (i32, i32) {
    %c0_i32 = arith.constant 0 : i32
    %c0_i32_0 = arith.constant 0 : i32
    %c0_i32_1 = arith.constant 0 : i32
    return %c0_i32, %c0_i32_0 : i32, i32
  }
  func.func @transform_10(%arg0: i32) -> (i32, i32) {
    %c0_i32 = arith.constant 0 : i32
    %c0_i32_0 = arith.constant 0 : i32
    return %arg0, %c0_i32 : i32, i32
  }
}

module attributes {stable_mosaic.version = 14 : i64} {
  func.func @_dec_block(%arg0: i32, %arg1: memref<8192x128xf32, #tpu.memory_space<vmem>>, %arg2: memref<128x256xf32, #tpu.memory_space<vmem>>, %arg3: memref<1x256xf32, #tpu.memory_space<vmem>>, %arg4: memref<256x256xf32, #tpu.memory_space<vmem>>, %arg5: memref<1x256xf32, #tpu.memory_space<vmem>>, %arg6: memref<256x128xf32, #tpu.memory_space<vmem>>, %arg7: memref<1x128xf32, #tpu.memory_space<vmem>>, %arg8: memref<8192x128xf32, #tpu.memory_space<vmem>>) attributes {dimension_semantics = [#tpu.dimension_semantics<arbitrary>], iteration_bounds = array<i64: 8>, scalar_prefetch = 0 : i64, scratch_operands = 0 : i64, tpu.core_type = #tpu.core_type<tc>, window_params = [{transform_indices = @transform_0, window_bounds = array<i64: 8192, 128>}, {pipeline_mode = #tpu.pipeline_mode<synchronous>, transform_indices = @transform_1, window_bounds = array<i64: 128, 256>}, {pipeline_mode = #tpu.pipeline_mode<synchronous>, transform_indices = @transform_2, window_bounds = array<i64: 1, 256>}, {pipeline_mode = #tpu.pipeline_mode<synchronous>, transform_indices = @transform_3, window_bounds = array<i64: 256, 256>}, {pipeline_mode = #tpu.pipeline_mode<synchronous>, transform_indices = @transform_4, window_bounds = array<i64: 1, 256>}, {pipeline_mode = #tpu.pipeline_mode<synchronous>, transform_indices = @transform_5, window_bounds = array<i64: 256, 128>}, {pipeline_mode = #tpu.pipeline_mode<synchronous>, transform_indices = @transform_6, window_bounds = array<i64: 1, 128>}, {transform_indices = @transform_7, window_bounds = array<i64: 8192, 128>}]} {
    %get3A = arith.constant 0 : index
    %get3A_0 = arith.constant 0 : index
    %get3A_1 = vector.load %arg1[%get3A, %get3A_0] : memref<8192x128xf32, #tpu.memory_space<vmem>>, vector<8192x128xf32>
    %get3A_2 = arith.constant 0 : index
    %get3A_3 = arith.constant 0 : index
    %get3A_4 = vector.load %arg2[%get3A_2, %get3A_3] : memref<128x256xf32, #tpu.memory_space<vmem>>, vector<128x256xf32>
    %dot_general3A = arith.constant dense<0.000000e+00> : vector<8192x256xf32>
    %dot_general3A_5 = tpu.matmul %get3A_1, %get3A_4, %dot_general3A {dimension_numbers = #tpu.dot_dimension_numbers<[1], [0], [0], [1], [0, 0, 1, 1], [], []>, transpose_lhs_hint = false} : vector<8192x128xf32>, vector<128x256xf32>, vector<8192x256xf32> -> vector<8192x256xf32>
    %get3A_6 = arith.constant 0 : index
    %get3A_7 = arith.constant 0 : index
    %get3A_8 = vector.load %arg3[%get3A_6, %get3A_7] : memref<1x256xf32, #tpu.memory_space<vmem>>, vector<1x256xf32>
    %add3A = vector.broadcast %get3A_8 : vector<1x256xf32> to vector<8192x256xf32>
    %add3A_9 = arith.addf %dot_general3A_5, %add3A : vector<8192x256xf32>
    %max3A = arith.constant 0.000000e+00 : f32
    %max3A_10 = vector.broadcast %max3A : f32 to vector<8192x256xf32>
    %max3A_11 = arith.maximumf %add3A_9, %max3A_10 : vector<8192x256xf32>
    %get3A_12 = arith.constant 0 : index
    %get3A_13 = arith.constant 0 : index
    %get3A_14 = vector.load %arg4[%get3A_12, %get3A_13] : memref<256x256xf32, #tpu.memory_space<vmem>>, vector<256x256xf32>
    %dot_general3A_15 = arith.constant dense<0.000000e+00> : vector<8192x256xf32>
    %dot_general3A_16 = tpu.matmul %max3A_11, %get3A_14, %dot_general3A_15 {dimension_numbers = #tpu.dot_dimension_numbers<[1], [0], [0], [1], [0, 0, 1, 1], [], []>, transpose_lhs_hint = false} : vector<8192x256xf32>, vector<256x256xf32>, vector<8192x256xf32> -> vector<8192x256xf32>
    %get3A_17 = arith.constant 0 : index
    %get3A_18 = arith.constant 0 : index
    %get3A_19 = vector.load %arg5[%get3A_17, %get3A_18] : memref<1x256xf32, #tpu.memory_space<vmem>>, vector<1x256xf32>
    %add3A_20 = vector.broadcast %get3A_19 : vector<1x256xf32> to vector<8192x256xf32>
    %add3A_21 = arith.addf %dot_general3A_16, %add3A_20 : vector<8192x256xf32>
    %max3A_22 = arith.constant 0.000000e+00 : f32
    %max3A_23 = vector.broadcast %max3A_22 : f32 to vector<8192x256xf32>
    %max3A_24 = arith.maximumf %add3A_21, %max3A_23 : vector<8192x256xf32>
    %get3A_25 = arith.constant 0 : index
    %get3A_26 = arith.constant 0 : index
    %get3A_27 = vector.load %arg6[%get3A_25, %get3A_26] : memref<256x128xf32, #tpu.memory_space<vmem>>, vector<256x128xf32>
    %dot_general3A_28 = arith.constant dense<0.000000e+00> : vector<8192x128xf32>
    %dot_general3A_29 = tpu.matmul %max3A_24, %get3A_27, %dot_general3A_28 {dimension_numbers = #tpu.dot_dimension_numbers<[1], [0], [0], [1], [0, 0, 1, 1], [], []>, transpose_lhs_hint = false} : vector<8192x256xf32>, vector<256x128xf32>, vector<8192x128xf32> -> vector<8192x128xf32>
    %get3A_30 = arith.constant 0 : index
    %get3A_31 = arith.constant 0 : index
    %get3A_32 = vector.load %arg7[%get3A_30, %get3A_31] : memref<1x128xf32, #tpu.memory_space<vmem>>, vector<1x128xf32>
    %add3A_33 = vector.broadcast %get3A_32 : vector<1x128xf32> to vector<8192x128xf32>
    %add3A_34 = arith.addf %dot_general3A_29, %add3A_33 : vector<8192x128xf32>
    %swap3A = arith.constant 0 : index
    %swap3A_35 = arith.constant 0 : index
    %swap3A_36 = vector.load %arg8[%swap3A, %swap3A_35] : memref<8192x128xf32, #tpu.memory_space<vmem>>, vector<8192x128xf32>
    tpu.vector_store %arg8[%swap3A, %swap3A_35], %add3A_34 {strides = array<i32>} : memref<8192x128xf32, #tpu.memory_space<vmem>>, vector<8192x128xf32>,
    return
  }
  func.func @transform_0(%arg0: i32) -> (i32, i32) {
    %c0_i32 = arith.constant 0 : i32
    %c0_i32_0 = arith.constant 0 : i32
    return %arg0, %c0_i32 : i32, i32
  }
  func.func @transform_1(%arg0: i32) -> (i32, i32) {
    %c0_i32 = arith.constant 0 : i32
    %c0_i32_0 = arith.constant 0 : i32
    %c0_i32_1 = arith.constant 0 : i32
    return %c0_i32, %c0_i32_0 : i32, i32
  }
  func.func @transform_2(%arg0: i32) -> (i32, i32) {
    %c0_i32 = arith.constant 0 : i32
    %c0_i32_0 = arith.constant 0 : i32
    %c0_i32_1 = arith.constant 0 : i32
    return %c0_i32, %c0_i32_0 : i32, i32
  }
  func.func @transform_3(%arg0: i32) -> (i32, i32) {
    %c0_i32 = arith.constant 0 : i32
    %c0_i32_0 = arith.constant 0 : i32
    %c0_i32_1 = arith.constant 0 : i32
    return %c0_i32, %c0_i32_0 : i32, i32
  }
  func.func @transform_4(%arg0: i32) -> (i32, i32) {
    %c0_i32 = arith.constant 0 : i32
    %c0_i32_0 = arith.constant 0 : i32
    %c0_i32_1 = arith.constant 0 : i32
    return %c0_i32, %c0_i32_0 : i32, i32
  }
  func.func @transform_5(%arg0: i32) -> (i32, i32) {
    %c0_i32 = arith.constant 0 : i32
    %c0_i32_0 = arith.constant 0 : i32
    %c0_i32_1 = arith.constant 0 : i32
    return %c0_i32, %c0_i32_0 : i32, i32
  }
  func.func @transform_6(%arg0: i32) -> (i32, i32) {
    %c0_i32 = arith.constant 0 : i32
    %c0_i32_0 = arith.constant 0 : i32
    %c0_i32_1 = arith.constant 0 : i32
    return %c0_i32, %c0_i32_0 : i32, i32
  }
  func.func @transform_7(%arg0: i32) -> (i32, i32) {
    %c0_i32 = arith.constant 0 : i32
    %c0_i32_0 = arith.constant 0 : i32
    return %arg0, %c0_i32 : i32, i32
  }
}

</mosaic_0001>

<sc_bundles>
// kernel: kernel.5.cloned.1.call-start
scs
__scs_entry_jumppad:
0x0: {  	(pc) =	sbr.rel $0x88, $3  }
0x1: {  	(tag) =	ssettag $0x0;
	lr =	simm.s32 $0x1  }
0x2: {  	[smem:$0x3F93] =	sst lr;
	_ =	strace $0xD0000000  }
0x3: {  	_ = 	snop  }
0x4: {  	_ = 	snop  }
0x5: {  	_ = 	snop  }
0x6: {  	_ = 	snop  }
0x7: {  	_ = 	snop  }
__scs_overlays_trampoline_lowered:
0x8: {  	[smem:$0x3FA2] =	sst s0  }
0x9: {  	[smem:$0x3FA3] =	sst s1  }
0xa: {  	[smem:$0x3FA4] =	sst s2  }
0xb: {  	[smem:$0x3FA5] =	sst s3  }
0xc: {  	[smem:$0x3FA6] =	sst s4  }
0xd: {  	[smem:$0x3FA7] =	sst s5  }
0xe: {  	[smem:$0x3FA8] =	sst s6  }
0xf: {  	[smem:$0x3FA9] =	sst s7  }
0x10: {  	[smem:$0x3FAA] =	sst s8  }
0x11: {  	[smem:$0x3FAB] =	sst s9;
	s0 =	simm.s32 @!p0 $0x0  }
0x12: {  	s1 =	sld [smem:$0x3F91];
	s0 =	simm.s32 @p0 $0x1  }
0x13: {  	[smem:$0x3FAC] =	sst s0;
	s0 =	simm.s32 @!p1 $0x0  }
0x14: {  	s2 =	sld [smem:$0x3F90];
	s0 =	simm.s32 @p1 $0x1  }
0x15: {  	[smem:$0x3FAD] =	sst s0;
	s0 =	simm.s32 @!p2 $0x0  }
0x16: {  	s3 =	sld [smem:$0x3FDB];
	s0 =	simm.s32 @p2 $0x1  }
0x17: {  	s4 =	simm.s32 $0x1BF5;
	[smem:$0x3FAF] =	sst s0  }
0x18: {  	s0 =	sld [smem:$0x3F92];
	_ =	swait.ge [sflag:s4], $0x0  }
0x19: {  	s7 =	sld [smem:$0x3F93]  }
0x1a: {  	s8 =	sadd.s32 $0xFFFFE003, lr  }
0x1b: {  	s9 =	sadd.s32 $0xFFFFFEF7, lr;
	s5 =	simm.s32 $0xFFFFFFFF;
	p2 =	slt.u32 s8, $0xFFFFF086  }
0x1c: {  	p1 =	slt.u32 s9, $0xF7A;
	s5 =	simm.s32 @!p2 $0x0  }
0x1d: {  	s5 =	simm.s32 @p1 $0x1;
	p0 =	seq.s32 s7, s2  }
0x1e: {  	s7 =	smul.u32 @!p0 $0xF7A, s2;
	p2 =	seq.s32 @!p0 s5, $0x0  }
0x1f: {  	s9 =	smul.u32 $0xF7A, s1;
	s8 =	simm.s32 @!p0 $0x1BF5;
	p2 =	por !p2, p0  }
0x20: {  	[sflag:s8] =	ssyncset.s32 @!p0 $0xFFFFF086;
	s6 =	sadd.s32 @!p0 s3, s7;
	s7 =	simm.s32 @!p0 $0x108  }
0x21: {  	s3 =	sadd.s32 s3, s9;
	s6 =	sadd.s32 @!p0 $0x88, s6;
	s7 =	simm.s32 @p2 $0x1082  }
0x22: {  	[simem:s7], [sflag:s8] =	dma.local @!p0 [hbm:s6], $0xF7A  }
0x23: {  	s9 =	sor.u32 $0xD0000000, s2;
	s6 =	simm.s32 $0x108;
	_ =	swait.ge @!p0 [sflag:s8], $0x0  }
0x24: {  	s3 =	sadd.s32 $0x88, s3;
	s6 =	simm.s32 @!p1 $0x1082;
	[sflag:s4] =	ssyncset.s32 $0xFFFFF086  }
0x25: {  	[simem:s6], [sflag:s4] =	dma.local [hbm:s3], $0xF7A  }
0x26: {  	[smem:$0x3F93] =	sst s1;
	(tag) =	ssettag s2;
	_ =	strace s9  }
0x27: {  	s1 =	sld [smem:$0x3FA3]  }
0x28: {  	s2 =	sld [smem:$0x3FA4]  }
0x29: {  	s4 =	sld [smem:$0x3FA6]  }
0x2a: {  	p0 =	seq.s32 s5, $0x0;
	s5 =	sld [smem:$0x3FA7]  }
0x2b: {  	s6 =	sld [smem:$0x3FA8]  }
0x2c: {  	s7 =	sld [smem:$0x3FA9]  }
0x2d: {  	s3 =	simm.s32 $0x108;
	s8 =	sld [smem:$0x3FAA]  }
0x2e: {  	s3 =	simm.s32 @!p0 $0x1082;
	s9 =	sld [smem:$0x3FAB]  }
0x2f: {  	lr =	sadd.s32 s0, s3;
	s0 =	sld [smem:$0x3FA2]  }
0x30: {  	s3 =	sld [smem:$0x3FA5]  }
0x31: {  	[smem:$0x3FAE] =	sst s10  }
0x32: {  	s10 =	sld [smem:$0x3FAC];
	_ =	sdelay $0x3  }
0x33: {  	p0 =	seq.s32 s10, $0x1;
	s10 =	sld [smem:$0x3FAE];
	_ =	sdelay $0x3  }
0x34: {  	[smem:$0x3FAE] =	sst s10  }
0x35: {  	s10 =	sld [smem:$0x3FAD];
	_ =	sdelay $0x3  }
0x36: {  	p1 =	seq.s32 s10, $0x1;
	s10 =	sld [smem:$0x3FAE];
	_ =	sdelay $0x3  }
0x37: {  	[smem:$0x3FAE] =	sst s10  }
0x38: {  	s10 =	sld [smem:$0x3FAF]  }
0x39: {  	_ = 	snop;
	(pc) =	sbr.ind lr, $3  }
0x3a: {  	_ = 	snop  }
0x3b: {  	_ = 	snop  }
0x3c: {  	p2 =	seq.s32 s10, $0x1;
	s10 =	sld [smem:$0x3FAE]  }
0x3d: {  	_ =	shalt  }
0x3e: {  	_ =	shalt  }
0x3f: {  	_ =	shalt  }
0x40: {  	_ =	shalt  }
0x41: {  	_ =	shalt  }
0x42: {  	_ =	shalt  }
0x43: {  	_ =	shalt  }
0x44: {  	_ =	shalt  }
0x45: {  	_ =	shalt  }
0x46: {  	_ =	shalt  }
0x47: {  	_ =	shalt  }
0x48: {  	_ =	shalt  }
0x49: {  	_ =	shalt  }
0x4a: {  	_ =	shalt  }
0x4b: {  	_ =	shalt  }
0x4c: {  	_ =	shalt  }
0x4d: {  	_ =	shalt  }
0x4e: {  	_ =	shalt  }
0x4f: {  	_ =	shalt  }
0x50: {  	_ =	shalt  }
0x51: {  	_ =	shalt  }
0x52: {  	_ =	shalt  }
0x53: {  	_ =	shalt  }
0x54: {  	_ =	shalt  }
0x55: {  	_ =	shalt  }
0x56: {  	_ =	shalt  }
0x57: {  	_ =	shalt  }
0x58: {  	_ =	shalt  }
0x59: {  	_ =	shalt  }
0x5a: {  	_ =	shalt  }
0x5b: {  	_ =	shalt  }
0x5c: {  	_ =	shalt  }
0x5d: {  	_ =	shalt  }
0x5e: {  	_ =	shalt  }
0x5f: {  	_ =	shalt  }
0x60: {  	_ =	shalt  }
0x61: {  	_ =	shalt  }
0x62: {  	_ =	shalt  }
0x63: {  	_ =	shalt  }
0x64: {  	_ =	shalt  }
0x65: {  	_ =	shalt  }
0x66: {  	_ =	shalt  }
0x67: {  	_ =	shalt  }
0x68: {  	_ =	shalt  }
0x69: {  	_ =	shalt  }
0x6a: {  	_ =	shalt  }
0x6b: {  	_ =	shalt  }
0x6c: {  	_ =	shalt  }
0x6d: {  	_ =	shalt  }
0x6e: {  	_ =	shalt  }
0x6f: {  	_ =	shalt  }
0x70: {  	_ =	shalt  }
0x71: {  	_ =	shalt  }
0x72: {  	_ =	shalt  }
0x73: {  	_ =	shalt  }
0x74: {  	_ =	shalt  }
0x75: {  	_ =	shalt  }
0x76: {  	_ =	shalt  }
0x77: {  	_ =	shalt  }
0x78: {  	_ =	shalt  }
0x79: {  	_ =	shalt  }
0x7a: {  	_ =	shalt  }
0x7b: {  	_ =	shalt  }
0x7c: {  	_ =	shalt  }
0x7d: {  	_ =	shalt  }
0x7e: {  	_ =	shalt  }
0x7f: {  	_ =	shalt  }
0x80: {  	_ =	shalt  }
0x81: {  	_ =	shalt  }
0x82: {  	_ =	shalt  }
0x83: {  	_ =	shalt  }
0x84: {  	_ =	shalt  }
0x85: {  	_ =	shalt  }
0x86: {  	_ =	shalt  }
0x87: {  	_ =	shalt  }
.Lfunc_end0:
.L_simem_size_0:
called_computation_lowered:
.L_overlay_start_0:
0x88: {  	s2 =	sld [smem:$0x3FD9]  }
0x89: {  	s3 =	sld [smem:$0x3FFE];
	_ =	sdelay $0x1  }
0x8a: {  	s1 =	srdreg.scid  }
0x8b: {  	s0 =	sand.u32 $0x1, s1  }
0x8c: {  	s16 =	sshll.u32 s0, $0xA;
	s2 =	sadd.s32 s3, s2  }
0x8d: {  	s2 =	sadd.s32 s2, s16  }
0x8e: {  	[smem:$0x3FBA] =	sst s2  }
0x8f: {  	_ = 	snop  }
0x90: {  	(tm) =	ssettm $0x1  }
0x91: {  	s17 =	sld [smem:$0x3FFB];
	_ =	sdelay $0x3  }
0x92: {  	_ =	strace s17  }
0x93: {  	s2 =	sld [smem:$0x3FFC];
	_ =	sdelay $0x3  }
0x94: {  	_ =	strace s2  }
0x95: {  	s2 =	sld [smem:$0x3FFD];
	_ =	sdelay $0x3  }
0x96: {  	_ =	strace s2  }
0x97: {  	_ =	strace $0x8FFFFFFF  }
0x98: {  	s18 =	sld [smem:$0x3FDB];
	_ =	sdelay $0x1  }
0x99: {  	s19 =	simm.s32 $_scs_section_size  }
0x9a: {  	s4 =	simm.s32 $_size__tile_overlayer_lowered;
	s5 =	simm.s32 $_tile_overlayer_lowered  }
0x9b: {  	s22 =	simm.s32 $0x1BFF;
	s21 =	sshll.u32 s5, $0x1;
	s2 =	sadd.s32 s19, s18  }
0x9c: {  	s6 =	simm.s32 $0x0;
	s20 =	sshll.u32 s4, $0x1;
	s4 =	sadd.s32 s21, s2  }
0x9d: {  	[timem:s6], [sflag:s22] =	dma.local [hbm:s4], s20  }
0x9e: {  	_ =	swait.ge [sflag:s22], s20  }
0x9f: {  	s3 =	ssub.s32 $0x0, s20;
	[sflag:s22] =	ssyncset.done $0x0  }
0xa0: {  	[sflag:s22] =	ssyncadd.s32 s3;
	_ =	sdelay $0x1  }
0xa1: {  	s23 =	simm.s32 $0x1B8B  }
0xa2: {  	_ =	swait.ge [sflag:s23], $0x1  }
0xa3: {  	[sflag:s23] =	ssyncset.done $0x0  }
0xa4: {  	s25 =	simm.s32 $0x1B8E;
	s24 =	sld [smem:$0x3FFE];
	[sflag:s23] =	ssyncadd.s32 $0xFFFFFFFF  }
0xa5: {  	s26 =	simm.s32 $execute0_lowered;
	[smem:$0x3FD2] =	sst s25  }
0xa6: {  	s4 =	sshll.u32 s26, $0x1;
	_ =	strace $0x80000046;
	[dreg:$0x1] =	wrdreg $0xFFFFFFFF  }
0xa7: {  	s28 =	simm.s32 $_size_execute0_lowered;
	s2 =	sadd.s32 s2, s4;
	[dreg:$0x0] =	wrdreg $0x0  }
0xa8: {  	s4 =	sshll.u32 s28, $0x1;
	[dreg:$0x2] =	wrdreg s2  }
0xa9: {  	[dreg:$0x3] =	wrdreg s4  }
0xaa: {  	[dreg:$0x4] =	wrdreg $0xC0  }
0xab: {  	_ =	task [dreg:s6], $0x5FFFF  }
0xac: {  	[dreg:$0x1] =	wrdreg $0xFFFFFFFF  }
0xad: {  	[dreg:$0x0] =	wrdreg $0x60  }
0xae: {  	[dreg:$0x2] =	wrdreg s24  }
0xaf: {  	[dreg:$0x3] =	wrdreg $0x9  }
0xb0: {  	_ =	task.clear_ibuf [dreg:s6], $0x4FFFF;
	_ =	strace $0x90000046  }
0xb1: {  	s29 =	simm.s32 $0x9;
	_ =	strace $0x80000048  }
0xb2: {  	_ =	swait.ge [sflag:s29], $0x1  }
0xb3: {  	[sflag:s29] =	ssyncadd.s32 $0xFFFFFFFF  }
0xb4: {  	_ =	strace $0x90000048  }
0xb5: {  	_ =	sfence  }
0xb6: {  	s30 =	sld [smem:$0x0];
	_ =	sdelay $0x2  }
0xb7: {  	s31 =	sshll.u32 s1, $0xD;
	s1 =	sshrl.u32 s1, $0x2  }
0xb8: {  	s3 =	sand.u32 $0x4000, s31;
	s1 =	sadd.s32 s1, s30  }
0xb9: {  	s0 =	sor.u32 s3, s0;
	s1 =	sshll.u32 s1, $0x11  }
0xba: {  	s0 =	sor.u32 s1, s0  }
0xbb: {  	s0 =	sadd.s32 $0x8F2B, s0  }
0xbc: {  	[sflag:s0] =	ssyncadd.remote.s32 $0x1  }
0xbd: {  	_ =	sfence.sel $0xFFFF  }
0xbe: {  	[dreg:$0x0] =	wrdreg $0xFFFFFFFF;
	(pc) =	sbr.abs _section_cstart, $3  }
0xbf: {  	[dreg:$0x1] =	wrdreg $0xFFFFFFFF  }
0xc0: {  	_ =	task.clear_ibuf [dreg:s6], $0x2FFFF;
	_ =	strace $0x9FFFFFFF  }
0xc1: {  	(tm) =	ssettm $0x7FFFFFFF  }
tec
execute0_lowered:
.L_overlay_start_1:
0x0: {  	(tag) =	ssettag $0x1  }
0x1: {  	s1 =	srdreg.scid  }
0x2: {  	s0 =	stileid.u32;
	s13 =	sand.u32 $0x1, s1  }
0x3: {  	s31 =	sshll.u32 s0, $0xC;
	s2 =	sshll.u32 s13, $0xB  }
0x4: {  	s9 =	rddreg [dreg:$0x0];
	s10 =	sor.u32 s2, s31  }
0x5: {  	s1 =	rddreg [dreg:$0x1];
	s2 =	simm.s32 $0x0;
	s3 =	sshrl.u32 s10, $0x3  }
0x6: {  	[smem:$0x7FF] =	sst s2;
	s3 =	sadd.s32 s3, s9  }
0x7: {  	_ =	strace $0x80000047;
	s4 =	sadd.s32 $0x2C00, s3;
	s3 =	simm.s32 $0x2  }
0x8: {  	[tilespmem:s2], [sflag:$0x2] =	stream.linear.gather [hbm4b:s4+s2], $0x800, $0x38;
	[tilespmem:$0x10800] =	vst v63  }
0x9: {  	_ =	swait.ge [sflag:s3], $0x800  }
0xa: {  	s6 =	simm.s32 $0x200;
	s7 =	simm.s32 $0x800;
	[sflag:s3] =	ssyncset.done $0x0  }
0xb: {  	s8 =	simm.s32 $0x1;
	s5 =	sadd.s32 $0xC00, s9;
	[sflag:s3] =	ssyncadd.s32 $0xFFFFF800  }
0xc: {  	[tilespmem:s7], [sflag:$0x1] =	stream.indirect.gather [hbm4b:s5+s6], $0x80, s2, s6, $0xb8;
	[tilespmem:$0x10800] =	vst v63  }
0xd: {  	s10 =	sshll.u32 s10, $0x4;
	_ =	swait.ge [sflag:s8], $0x10000  }
0xe: {  	s14 =	sadd.s32 s10, s9;
	[sflag:s8] =	ssyncset.done $0x0  }
0xf: {  	s9 =	sadd.s32 $0x4C00, s14;
	[sflag:s8] =	ssyncadd.s32 $0xFFFF0000  }
0x10: {  	[hbm4b:s9+s2] =	stream.linear.scatter [tilespmem:s7], [sflag:$0x2], $0x10000, $0x38;
	[tilespmem:$0x10800] =	vst v63  }
0x11: {  	_ =	swait.ge [sflag:s3], $0x10000  }
0x12: {  	[sflag:s3] =	ssyncset.done $0x0  }
0x13: {  	[sflag:s3] =	ssyncadd.s32 $0xFFFF0000  }
0x14: {  	[tilespmem:s7], [sflag:$0x1] =	stream.indirect.gather [hbm4b:s5+s6], $0x80, s6, s6, $0xb8;
	[tilespmem:$0x10800] =	vst v63  }
0x15: {  	_ =	swait.ge [sflag:s8], $0x10000  }
0x16: {  	[sflag:s8] =	ssyncset.done $0x0  }
0x17: {  	s10 =	sadd.s32 $0x6C00, s14;
	[sflag:s8] =	ssyncadd.s32 $0xFFFF0000  }
0x18: {  	[hbm4b:s10+s2] =	stream.linear.scatter [tilespmem:s7], [sflag:$0x2], $0x10000, $0x38;
	[tilespmem:$0x10800] =	vst v63  }
0x19: {  	_ =	swait.ge [sflag:s3], $0x10000  }
0x1a: {  	[sflag:s3] =	ssyncset.done $0x0  }
0x1b: {  	s11 =	simm.s32 $0x400;
	[sflag:s3] =	ssyncadd.s32 $0xFFFF0000  }
0x1c: {  	[tilespmem:s7], [sflag:$0x1] =	stream.indirect.gather [hbm4b:s5+s6], $0x80, s11, s6, $0xb8;
	[tilespmem:$0x10800] =	vst v63  }
0x1d: {  	_ =	swait.ge [sflag:s8], $0x10000  }
0x1e: {  	[sflag:s8] =	ssyncset.done $0x0  }
0x1f: {  	s15 =	ssub.s32 $0x2, s13;
	s12 =	sadd.s32 $0x8C00, s14;
	[sflag:s8] =	ssyncadd.s32 $0xFFFF0000  }
0x20: {  	[hbm4b:s12+s2] =	stream.linear.scatter [tilespmem:s7], [sflag:$0x2], $0x10000, $0x38;
	[tilespmem:$0x10800] =	vst v63  }
0x21: {  	s16 =	sshrl.u32 s15, $0x1;
	_ =	swait.ge [sflag:s3], $0x10000  }
0x22: {  	s15 =	ssub.s32 s15, s16;
	[sflag:s3] =	ssyncset.done $0x0  }
0x23: {  	s13 =	simm.s32 $0x600;
	s15 =	smax.u32 s15, $0x1;
	[sflag:s3] =	ssyncadd.s32 $0xFFFF0000  }
0x24: {  	[tilespmem:s7], [sflag:$0x1] =	stream.indirect.gather [hbm4b:s5+s6], $0x80, s13, s6, $0xb8;
	[tilespmem:$0x10800] =	vst v63  }
0x25: {  	p0 =	sne.s32 s15, $0x1;
	_ =	swait.ge [sflag:s8], $0x10000  }
.Ltmp0:
0x26: {  	[sflag:s8] =	ssyncset.done $0x0;
	(pc) =	sbr.rel @!p0 .LBB2_2-.Ltmp0, $4  }
0x27: {  	s14 =	sadd.s32 $0xAC00, s14;
	[sflag:s8] =	ssyncadd.s32 $0xFFFF0000  }
0x28: {  	[hbm4b:s14+s2] =	stream.linear.scatter [tilespmem:s7], [sflag:$0x2], $0x10000, $0x38;
	[tilespmem:$0x10800] =	vst v63  }
0x29: {  	_ =	swait.ge [sflag:s3], $0x10000  }
0x2a: {  	s15 =	sadd.s32 $0xFFFFFFFF, s15;
	[sflag:s3] =	ssyncset.done $0x0  }
.LBB2_1:
0x2b: {  	p0 =	sne.s32 s15, $0x1;
	s15 =	sadd.s32 $0xFFFFFFFF, s15;
	[sflag:s3] =	ssyncadd.s32 $0xFFFF0000  }
0x2c: {  	[tilespmem:s2], [sflag:$0x2] =	stream.linear.gather [hbm4b:s4+s2], $0x800, $0x38;
	[tilespmem:$0x10800] =	vst v63  }
0x2d: {  	_ =	swait.ge [sflag:s3], $0x800  }
0x2e: {  	[sflag:s3] =	ssyncset.done $0x0  }
0x2f: {  	[sflag:s3] =	ssyncadd.s32 $0xFFFFF800  }
0x30: {  	[tilespmem:s7], [sflag:$0x1] =	stream.indirect.gather [hbm4b:s5+s6], $0x80, s2, s6, $0xb8;
	[tilespmem:$0x10800] =	vst v63  }
0x31: {  	_ =	swait.ge [sflag:s8], $0x10000  }
0x32: {  	[sflag:s8] =	ssyncset.done $0x0  }
0x33: {  	[sflag:s8] =	ssyncadd.s32 $0xFFFF0000  }
0x34: {  	[hbm4b:s9+s2] =	stream.linear.scatter [tilespmem:s7], [sflag:$0x2], $0x10000, $0x38;
	[tilespmem:$0x10800] =	vst v63  }
0x35: {  	_ =	swait.ge [sflag:s3], $0x10000  }
0x36: {  	[sflag:s3] =	ssyncset.done $0x0  }
0x37: {  	[sflag:s3] =	ssyncadd.s32 $0xFFFF0000  }
0x38: {  	[tilespmem:s7], [sflag:$0x1] =	stream.indirect.gather [hbm4b:s5+s6], $0x80, s6, s6, $0xb8;
	[tilespmem:$0x10800] =	vst v63  }
0x39: {  	_ =	swait.ge [sflag:s8], $0x10000  }
0x3a: {  	[sflag:s8] =	ssyncset.done $0x0  }
0x3b: {  	[sflag:s8] =	ssyncadd.s32 $0xFFFF0000  }
0x3c: {  	[hbm4b:s10+s2] =	stream.linear.scatter [tilespmem:s7], [sflag:$0x2], $0x10000, $0x38;
	[tilespmem:$0x10800] =	vst v63  }
0x3d: {  	_ =	swait.ge [sflag:s3], $0x10000  }
0x3e: {  	[sflag:s3] =	ssyncset.done $0x0  }
0x3f: {  	[sflag:s3] =	ssyncadd.s32 $0xFFFF0000  }
0x40: {  	[tilespmem:s7], [sflag:$0x1] =	stream.indirect.gather [hbm4b:s5+s6], $0x80, s11, s6, $0xb8;
	[tilespmem:$0x10800] =	vst v63  }
0x41: {  	_ =	swait.ge [sflag:s8], $0x10000  }
0x42: {  	[sflag:s8] =	ssyncset.done $0x0  }
0x43: {  	[sflag:s8] =	ssyncadd.s32 $0xFFFF0000  }
0x44: {  	[hbm4b:s12+s2] =	stream.linear.scatter [tilespmem:s7], [sflag:$0x2], $0x10000, $0x38;
	[tilespmem:$0x10800] =	vst v63  }
0x45: {  	_ =	swait.ge [sflag:s3], $0x10000  }
0x46: {  	[sflag:s3] =	ssyncset.done $0x0  }
0x47: {  	[sflag:s3] =	ssyncadd.s32 $0xFFFF0000  }
0x48: {  	[tilespmem:s7], [sflag:$0x1] =	stream.indirect.gather [hbm4b:s5+s6], $0x80, s13, s6, $0xb8;
	[tilespmem:$0x10800] =	vst v63  }
0x49: {  	_ =	swait.ge [sflag:s8], $0x10000  }
.Ltmp1:
0x4a: {  	[sflag:s8] =	ssyncset.done $0x0;
	(pc) =	sbr.rel @p0 .LBB2_1-.Ltmp1, $4  }
0x4b: {  	[sflag:s8] =	ssyncadd.s32 $0xFFFF0000  }
0x4c: {  	[hbm4b:s14+s2] =	stream.linear.scatter [tilespmem:s7], [sflag:$0x2], $0x10000, $0x38;
	[tilespmem:$0x10800] =	vst v63  }
0x4d: {  	_ =	swait.ge [sflag:s3], $0x10000  }
0x4e: {  	[sflag:s3] =	ssyncset.done $0x0  }
.LBB2_2:
0x4f: {  	[sflag:s3] =	ssyncadd.s32 $0xFFFF0000  }
0x50: {  	_ =	sfence.sel $0x180000  }
0x51: {  	[bflag:$0x0] =	sbarrier.arrive $0xFFFF  }
0x52: {  	p0 =	sne.s32 s0, $0x0;
	_ =	strace $0x90000047  }
0x53: {  	s0 =	sadd.s32 @!p0 $0x100000, s1;
	[bflag:$0x2] =	sbarrier.arrive $0xFFFF  }
0x54: {  	[sflag:s0] =	ssyncadd.tile.s32 @!p0 $0x1;
	_ =	shalt  }
.Lfunc_end2:
_tile_overlayer_lowered:
.L_overlay_start_2:
0x55: {  	(tag) =	ssettag $0x2  }
0x56: {  	s0 =	rddreg [dreg:$0x0];
	s2 =	stileid.u32  }
0x57: {  	s1 =	rddreg [dreg:$0x1];
	p0 =	sne.s32 s2, $0x0  }
0x58: {  	s3 =	rddreg [dreg:$0x2];
	[bflag:$0x3] =	sbarrier.arrive $0xFFFF;
	s2 =	simm.s32 @!p0 $0x1C02  }
0x59: {  	[timem:s3], [sflag:s2] =	dma.local @!p0 [hbm:s0], s1  }
0x5a: {  	s0 =	simm.s32 @!p0 $0x2  }
0x5b: {  	_ =	swait.ge @!p0 [sflag:s0], s1  }
0x5c: {  	s1 =	ssub.s32 @!p0 $0x0, s1;
	[sflag:s0] =	ssyncset.done @!p0 $0x0  }
0x5d: {  	[sflag:s0] =	ssyncadd.s32 @!p0 s1  }
0x5e: {  	[bflag:$0x3] =	sbarrier.arrive $0xFFFF  }
0x5f: {  	_ =	shalt  }

</sc_bundles>
